<compile_context>
chip_gen: v7x
topology: tpu7x:2x2x1
jax: 0.10.2.dev20260603
libtpu: 0.0.44.dev20260713+nightly
codegen_flags: <defaults>
</compile_context>

<pallas_src>
import functools
import math

import jax
import jax.numpy as jnp
from jax import lax
from jax.experimental import pallas as pl
from jax.experimental.pallas import tpu as pltpu
from jax.experimental.pallas import tpu_sc as plsc

D_MODEL = 128
SQRT_D = jnp.float32(math.sqrt(D_MODEL))

_NC = 2
_NS = 16
_NW = _NC * _NS
_CHUNK = 128
_LANES = 16
_NBUF = 4


@functools.cache
def _make_gather(B, D):
    b_per_w = B // _NW
    n_chunks = b_per_w // _CHUNK
    assert n_chunks % _NBUF == 0 and n_chunks >= 2 * _NBUF
    mesh = plsc.VectorSubcoreMesh(core_axis_name="c", subcore_axis_name="s")

    @functools.partial(
        pl.kernel,
        mesh=mesh,
        out_type=jax.ShapeDtypeStruct((B, D), jnp.float32),
        scratch_types=[
            pltpu.VMEM((b_per_w,), jnp.int32),
            pltpu.VMEM((_NBUF, _CHUNK, D), jnp.float32),
        ] + [pltpu.SemaphoreType.DMA] * (2 * _NBUF),
    )
    def k(table_hbm, idx_hbm, out_hbm, idx_v, rows_v, *sems):
        gsem = sems[:_NBUF]
        osem = sems[_NBUF:]
        wid = lax.axis_index("s") * _NC + lax.axis_index("c")
        base = pl.multiple_of(wid * b_per_w, 8)
        pltpu.sync_copy(idx_hbm.at[pl.ds(base, b_per_w)], idx_v)

        def gather(c, slot):
            off = pl.multiple_of(c * _CHUNK, 8)
            pltpu.async_copy(
                table_hbm.at[idx_v.at[pl.ds(off, _CHUNK)]],
                rows_v.at[slot], gsem[slot])

        def put(c, slot):
            off = pl.multiple_of(base + c * _CHUNK, 8)
            pltpu.async_copy(
                rows_v.at[slot], out_hbm.at[pl.ds(off, _CHUNK)], osem[slot])

        def wait_g(slot):
            pltpu.make_async_copy(
                table_hbm.at[idx_v.at[pl.ds(0, _CHUNK)]],
                rows_v.at[slot], gsem[slot]).wait()

        def wait_p(slot):
            pltpu.make_async_copy(
                rows_v.at[slot], out_hbm.at[pl.ds(base, _CHUNK)],
                osem[slot]).wait()

        def add_sqrt(slot):
            @plsc.parallel_loop(0, _CHUNK, unroll=4)
            def _(r):
                for j in range(D // _LANES):
                    sl = pl.ds(j * _LANES, _LANES)
                    rows_v[slot, r, sl] = rows_v[slot, r, sl] + SQRT_D

        for c in range(_NBUF - 1):
            gather(c, c)

        n_groups = n_chunks // _NBUF

        def body(g, carry):
            c0 = g * _NBUF
            for k_ in range(_NBUF):
                c = c0 + k_
                slot = k_
                nxt = (k_ + _NBUF - 1) % _NBUF
                wait_g(slot)
                put(c, slot)
                if k_ == 0:
                    @pl.when(g >= 1)
                    def _():
                        wait_p(nxt)
                        gather(c + _NBUF - 1, nxt)

                    @pl.when(g == 0)
                    def _():
                        gather(c + _NBUF - 1, nxt)
                else:
                    @pl.when(c + _NBUF - 1 < n_chunks)
                    def _():
                        wait_p(nxt)
                        gather(c + _NBUF - 1, nxt)
            return carry

        lax.fori_loop(0, n_groups, body, 0)
        for s in range(_NBUF):
            wait_p(s)

    return k


def kernel(x, table):
    B = x.size
    flat = x.reshape(B)
    out = _make_gather(B, D_MODEL)(table, flat)
    return out.reshape(x.shape + (D_MODEL,))

# --- scband reference (transcript-rebuilt; emitter-appended) ---
"""Pipeline reference for scband-input-embeddings-17102559772836 (READ-ONLY COPY).

The authoritative reference and input builder live on the scoring server;
editing this copy changes nothing except your own understanding.
"""

import jax, jax.numpy as jnp
import numpy as np
import math

VOCAB_SIZE = 100000
D_MODEL = 128

def setup_inputs(seed: int = 0) -> dict:
    key = jax.random.key(seed)
    k1, k2 = jax.random.split(key)
    x = jax.random.randint(k1, (4096, 200), 0, VOCAB_SIZE, dtype=jnp.int64 if jax.config.jax_enable_x64 else jnp.int32)
    table = jax.random.normal(k2, (VOCAB_SIZE, D_MODEL), dtype=jnp.float32)
    return {"x": x, "table": table}

def reference(x, table):
    # Faithful translation: embedding lookup then ADD sqrt(d_model) (the original
    # module adds, not multiplies, the scalar).
    emb = jnp.take(table, x, axis=0)
    return emb + math.sqrt(D_MODEL)

if __name__ == "__main__":
    import jax
    _d = setup_inputs()
    print(jax.jit(kernel)(*tuple(_d.values())))

</pallas_src>

<mosaic_0001>
#map = affine_map<(d0, d1) -> (0, 0)>
#map1 = affine_map<(d0, d1) -> (0)>
module attributes {stable_mosaic.version = 14 : i64} {
  func.func @k(%arg0: i32, %arg1: i32, %arg2: memref<100000x128xf32, #tpu.memory_space<hbm>>, %arg3: memref<819200xi32, #tpu.memory_space<hbm>>, %arg4: memref<819200x128xf32, #tpu.memory_space<hbm>>, %arg5: memref<25600xi32, #tpu.memory_space<vmem>>, %arg6: memref<4x128x128xf32, #tpu.memory_space<vmem>>, %arg7: memref<!tpu.dma_semaphore, #tpu.memory_space<semaphore_mem>>, %arg8: memref<!tpu.dma_semaphore, #tpu.memory_space<semaphore_mem>>, %arg9: memref<!tpu.dma_semaphore, #tpu.memory_space<semaphore_mem>>, %arg10: memref<!tpu.dma_semaphore, #tpu.memory_space<semaphore_mem>>, %arg11: memref<!tpu.dma_semaphore, #tpu.memory_space<semaphore_mem>>, %arg12: memref<!tpu.dma_semaphore, #tpu.memory_space<semaphore_mem>>, %arg13: memref<!tpu.dma_semaphore, #tpu.memory_space<semaphore_mem>>, %arg14: memref<!tpu.dma_semaphore, #tpu.memory_space<semaphore_mem>>) attributes {dimension_semantics = [#tpu.dimension_semantics<core_parallel>, #tpu.dimension_semantics<subcore_parallel>], iteration_bounds = array<i64: 2, 16>, scalar_prefetch = 0 : i64, scratch_operands = 10 : i64, tpu.core_type = #tpu.core_type<sc_vector_subcore>, window_params = [{transform_indices = #map}, {transform_indices = #map1}, {transform_indices = #map}]} {
    %mul3A = arith.constant 2 : i32
    %mul3A_0 = arith.muli %arg1, %mul3A : i32
    %add3A = arith.addi %mul3A_0, %arg0 : i32
    %mul3A_1 = arith.constant 25600 : i32
    %mul3A_2 = arith.muli %add3A, %mul3A_1 : i32
    %multiple_of3A = tpu.assume_multiple %mul3A_2, 8 : i32
    "tpu.region"() ({
      %run_scoped3A = tpu.sem_alloc : memref<!tpu.dma_semaphore, #tpu.memory_space<semaphore_mem>>
      %dma_start3A_91 = tpu.memref_slice %arg3[%multiple_of3A] : memref<819200xi32, #tpu.memory_space<hbm>> -> memref<25600xi32, #tpu.memory_space<hbm>>
      %dma_start3A_92 = tpu.memref_slice %arg3[%multiple_of3A] : memref<819200xi32, #tpu.memory_space<hbm>> -> memref<25600xi32, #tpu.memory_space<hbm>>
      tpu.enqueue_dma source(%dma_start3A_92 : memref<25600xi32, #tpu.memory_space<hbm>>) target(%arg5 : memref<25600xi32, #tpu.memory_space<vmem>>) target_semaphore(%run_scoped3A : memref<!tpu.dma_semaphore, #tpu.memory_space<semaphore_mem>>)
      %dma_wait3A_93 = tpu.memref_slice %arg3[%multiple_of3A] : memref<819200xi32, #tpu.memory_space<hbm>> -> memref<25600xi32, #tpu.memory_space<hbm>>
      %dma_wait3A_94 = tpu.memref_slice %arg3[%multiple_of3A] : memref<819200xi32, #tpu.memory_space<hbm>> -> memref<25600xi32, #tpu.memory_space<hbm>>
      tpu.wait_dma2 semaphore(%run_scoped3A : memref<!tpu.dma_semaphore, #tpu.memory_space<semaphore_mem>>) src(%dma_wait3A_94 : memref<25600xi32, #tpu.memory_space<hbm>>) dst(%arg5 : memref<25600xi32, #tpu.memory_space<vmem>>)
      tpu.yield
    }) : () -> ()
    %multiple_of3A_3 = arith.constant 0 : i32
    %multiple_of3A_4 = tpu.assume_multiple %multiple_of3A_3, 8 : i32
    %dma_start3A = arith.constant 0 : i32
    %dma_start3A_5 = arith.constant 0 : i32
    %dma_start3A_6 = arith.constant 0 : i32
    %dma_start3A_7 = tpu.memref_slice %arg6[%dma_start3A, %dma_start3A_5, %dma_start3A_6] : memref<4x128x128xf32, #tpu.memory_space<vmem>> -> memref<1x128x128xf32, #tpu.memory_space<vmem>>
    %dma_start3A_8 = tpu.memref_squeeze %dma_start3A_7 : memref<1x128x128xf32, #tpu.memory_space<vmem>> -> memref<128x128xf32, #tpu.memory_space<vmem>>
    %dma_start3A_9 = tpu.memref_slice %arg5[%multiple_of3A_4] : memref<25600xi32, #tpu.memory_space<vmem>> -> memref<128xi32, #tpu.memory_space<vmem>>
    %dma_start3A_10 = arith.constant 0 : i32
    %dma_start3A_11 = arith.constant 0 : i32
    %dma_start3A_12 = tpu.memref_slice %arg2[%dma_start3A_10, %dma_start3A_11] : memref<100000x128xf32, #tpu.memory_space<hbm>> -> memref<100000x128xf32, #tpu.memory_space<hbm>>
    tpu.enqueue_indirect_dma source(%dma_start3A_12 : memref<100000x128xf32, #tpu.memory_space<hbm>>) target(%dma_start3A_8 : memref<128x128xf32, #tpu.memory_space<vmem>>) offsets(%dma_start3A_9 : memref<128xi32, #tpu.memory_space<vmem>>) semaphore(%arg7 : memref<!tpu.dma_semaphore, #tpu.memory_space<semaphore_mem>>)
    %multiple_of3A_13 = arith.constant 128 : i32
    %multiple_of3A_14 = tpu.assume_multiple %multiple_of3A_13, 8 : i32
    %dma_start3A_15 = arith.constant 1 : i32
    %dma_start3A_16 = arith.constant 0 : i32
    %dma_start3A_17 = arith.constant 0 : i32
    %dma_start3A_18 = tpu.memref_slice %arg6[%dma_start3A_15, %dma_start3A_16, %dma_start3A_17] : memref<4x128x128xf32, #tpu.memory_space<vmem>> -> memref<1x128x128xf32, #tpu.memory_space<vmem>>
    %dma_start3A_19 = tpu.memref_squeeze %dma_start3A_18 : memref<1x128x128xf32, #tpu.memory_space<vmem>> -> memref<128x128xf32, #tpu.memory_space<vmem>>
    %dma_start3A_20 = tpu.memref_slice %arg5[%multiple_of3A_14] : memref<25600xi32, #tpu.memory_space<vmem>> -> memref<128xi32, #tpu.memory_space<vmem>>
    %dma_start3A_21 = arith.constant 0 : i32
    %dma_start3A_22 = arith.constant 0 : i32
    %dma_start3A_23 = tpu.memref_slice %arg2[%dma_start3A_21, %dma_start3A_22] : memref<100000x128xf32, #tpu.memory_space<hbm>> -> memref<100000x128xf32, #tpu.memory_space<hbm>>
    tpu.enqueue_indirect_dma source(%dma_start3A_23 : memref<100000x128xf32, #tpu.memory_space<hbm>>) target(%dma_start3A_19 : memref<128x128xf32, #tpu.memory_space<vmem>>) offsets(%dma_start3A_20 : memref<128xi32, #tpu.memory_space<vmem>>) semaphore(%arg8 : memref<!tpu.dma_semaphore, #tpu.memory_space<semaphore_mem>>)
    %multiple_of3A_24 = arith.constant 256 : i32
    %multiple_of3A_25 = tpu.assume_multiple %multiple_of3A_24, 8 : i32
    %dma_start3A_26 = arith.constant 2 : i32
    %dma_start3A_27 = arith.constant 0 : i32
    %dma_start3A_28 = arith.constant 0 : i32
    %dma_start3A_29 = tpu.memref_slice %arg6[%dma_start3A_26, %dma_start3A_27, %dma_start3A_28] : memref<4x128x128xf32, #tpu.memory_space<vmem>> -> memref<1x128x128xf32, #tpu.memory_space<vmem>>
    %dma_start3A_30 = tpu.memref_squeeze %dma_start3A_29 : memref<1x128x128xf32, #tpu.memory_space<vmem>> -> memref<128x128xf32, #tpu.memory_space<vmem>>
    %dma_start3A_31 = tpu.memref_slice %arg5[%multiple_of3A_25] : memref<25600xi32, #tpu.memory_space<vmem>> -> memref<128xi32, #tpu.memory_space<vmem>>
    %dma_start3A_32 = arith.constant 0 : i32
    %dma_start3A_33 = arith.constant 0 : i32
    %dma_start3A_34 = tpu.memref_slice %arg2[%dma_start3A_32, %dma_start3A_33] : memref<100000x128xf32, #tpu.memory_space<hbm>> -> memref<100000x128xf32, #tpu.memory_space<hbm>>
    tpu.enqueue_indirect_dma source(%dma_start3A_34 : memref<100000x128xf32, #tpu.memory_space<hbm>>) target(%dma_start3A_30 : memref<128x128xf32, #tpu.memory_space<vmem>>) offsets(%dma_start3A_31 : memref<128xi32, #tpu.memory_space<vmem>>) semaphore(%arg9 : memref<!tpu.dma_semaphore, #tpu.memory_space<semaphore_mem>>)
    %scan3A = arith.constant 0 : i32
    %scan3A_35 = arith.constant 0 : i32
    %scan3A_36 = arith.constant 50 : i32
    %scan3A_37 = arith.addi %scan3A_35, %scan3A_36 : i32
    %scan3A_38 = arith.constant 1 : i32
    scf.for %scan3A_91 = %scan3A_35 to %scan3A_37 step %scan3A_38  : i32 {
      %mul3A_92 = arith.constant 4 : i32
      %mul3A_93 = arith.muli %scan3A_91, %mul3A_92 : i32
      %add3A_94 = arith.constant 0 : i32
      %add3A_95 = arith.addi %mul3A_93, %add3A_94 : i32
      %dma_wait3A_96 = arith.constant 0 : i32
      %dma_wait3A_97 = arith.constant 0 : i32
      %dma_wait3A_98 = arith.constant 0 : i32
      %dma_wait3A_99 = tpu.memref_slice %arg6[%dma_wait3A_96, %dma_wait3A_97, %dma_wait3A_98] : memref<4x128x128xf32, #tpu.memory_space<vmem>> -> memref<1x128x128xf32, #tpu.memory_space<vmem>>
      %dma_wait3A_100 = tpu.memref_squeeze %dma_wait3A_99 : memref<1x128x128xf32, #tpu.memory_space<vmem>> -> memref<128x128xf32, #tpu.memory_space<vmem>>
      %dma_wait3A_101 = arith.constant 0 : i32
      %dma_wait3A_102 = tpu.memref_slice %arg5[%dma_wait3A_101] : memref<25600xi32, #tpu.memory_space<vmem>> -> memref<128xi32, #tpu.memory_space<vmem>>
      %dma_wait3A_103 = arith.constant 0 : i32
      %dma_wait3A_104 = arith.constant 0 : i32
      %dma_wait3A_105 = tpu.memref_slice %arg2[%dma_wait3A_103, %dma_wait3A_104] : memref<100000x128xf32, #tpu.memory_space<hbm>> -> memref<100000x128xf32, #tpu.memory_space<hbm>>
      tpu.wait_indirect_dma semaphore(%arg7 : memref<!tpu.dma_semaphore, #tpu.memory_space<semaphore_mem>>) src(%dma_wait3A_105 : memref<100000x128xf32, #tpu.memory_space<hbm>>) dst(%dma_wait3A_100 : memref<128x128xf32, #tpu.memory_space<vmem>>)
      %mul3A_106 = arith.constant 128 : i32
      %mul3A_107 = arith.muli %add3A_95, %mul3A_106 : i32
      %add3A_108 = arith.addi %multiple_of3A, %mul3A_107 : i32
      %multiple_of3A_109 = tpu.assume_multiple %add3A_108, 8 : i32
      %dma_start3A_110 = arith.constant 0 : i32
      %dma_start3A_111 = arith.constant 0 : i32
      %dma_start3A_112 = arith.constant 0 : i32
      %dma_start3A_113 = tpu.memref_slice %arg6[%dma_start3A_110, %dma_start3A_111, %dma_start3A_112] : memref<4x128x128xf32, #tpu.memory_space<vmem>> -> memref<1x128x128xf32, #tpu.memory_space<vmem>>
      %dma_start3A_114 = tpu.memref_squeeze %dma_start3A_113 : memref<1x128x128xf32, #tpu.memory_space<vmem>> -> memref<128x128xf32, #tpu.memory_space<vmem>>
      %dma_start3A_115 = arith.constant 0 : i32
      %dma_start3A_116 = tpu.memref_slice %arg4[%multiple_of3A_109, %dma_start3A_115] : memref<819200x128xf32, #tpu.memory_space<hbm>> -> memref<128x128xf32, #tpu.memory_space<hbm>>
      %dma_start3A_117 = arith.constant 0 : i32
      %dma_start3A_118 = tpu.memref_slice %arg4[%multiple_of3A_109, %dma_start3A_117] : memref<819200x128xf32, #tpu.memory_space<hbm>> -> memref<128x128xf32, #tpu.memory_space<hbm>>
      %dma_start3A_119 = arith.constant 0 : i32
      %dma_start3A_120 = arith.constant 0 : i32
      %dma_start3A_121 = tpu.memref_slice %arg6[%dma_start3A_110, %dma_start3A_119, %dma_start3A_120] : memref<4x128x128xf32, #tpu.memory_space<vmem>> -> memref<1x128x128xf32, #tpu.memory_space<vmem>>
      %dma_start3A_122 = tpu.memref_squeeze %dma_start3A_121 : memref<1x128x128xf32, #tpu.memory_space<vmem>> -> memref<128x128xf32, #tpu.memory_space<vmem>>
      tpu.enqueue_dma source(%dma_start3A_122 : memref<128x128xf32, #tpu.memory_space<vmem>>) target(%dma_start3A_118 : memref<128x128xf32, #tpu.memory_space<hbm>>) target_semaphore(%arg11 : memref<!tpu.dma_semaphore, #tpu.memory_space<semaphore_mem>>)
      %ge3A = arith.constant 1 : i32
      %ge3A_123 = arith.cmpi sge, %scan3A_91, %ge3A : i32
      %convert_element_type3A = arith.extui %ge3A_123 : i1 to i32
      %cond3A = arith.constant 0 : i32
      %cond3A_124 = arith.cmpi ne, %convert_element_type3A, %cond3A : i32
      scf.if %cond3A_124 {
        %dma_wait3A_241 = arith.constant 3 : i32
        %dma_wait3A_242 = arith.constant 0 : i32
        %dma_wait3A_243 = arith.constant 0 : i32
        %dma_wait3A_244 = tpu.memref_slice %arg6[%dma_wait3A_241, %dma_wait3A_242, %dma_wait3A_243] : memref<4x128x128xf32, #tpu.memory_space<vmem>> -> memref<1x128x128xf32, #tpu.memory_space<vmem>>
        %dma_wait3A_245 = tpu.memref_squeeze %dma_wait3A_244 : memref<1x128x128xf32, #tpu.memory_space<vmem>> -> memref<128x128xf32, #tpu.memory_space<vmem>>
        %dma_wait3A_246 = arith.constant 0 : i32
        %dma_wait3A_247 = tpu.memref_slice %arg4[%multiple_of3A, %dma_wait3A_246] : memref<819200x128xf32, #tpu.memory_space<hbm>> -> memref<128x128xf32, #tpu.memory_space<hbm>>
        %dma_wait3A_248 = arith.constant 0 : i32
        %dma_wait3A_249 = tpu.memref_slice %arg4[%multiple_of3A, %dma_wait3A_248] : memref<819200x128xf32, #tpu.memory_space<hbm>> -> memref<128x128xf32, #tpu.memory_space<hbm>>
        %dma_wait3A_250 = arith.constant 0 : i32
        %dma_wait3A_251 = arith.constant 0 : i32
        %dma_wait3A_252 = tpu.memref_slice %arg6[%dma_wait3A_241, %dma_wait3A_250, %dma_wait3A_251] : memref<4x128x128xf32, #tpu.memory_space<vmem>> -> memref<1x128x128xf32, #tpu.memory_space<vmem>>
        %dma_wait3A_253 = tpu.memref_squeeze %dma_wait3A_252 : memref<1x128x128xf32, #tpu.memory_space<vmem>> -> memref<128x128xf32, #tpu.memory_space<vmem>>
        tpu.wait_dma2 semaphore(%arg14 : memref<!tpu.dma_semaphore, #tpu.memory_space<semaphore_mem>>) src(%dma_wait3A_253 : memref<128x128xf32, #tpu.memory_space<vmem>>) dst(%dma_wait3A_249 : memref<128x128xf32, #tpu.memory_space<hbm>>)
        %add3A_254 = arith.constant 4 : i32
        %add3A_255 = arith.addi %add3A_95, %add3A_254 : i32
        %sub3A_256 = arith.constant 1 : i32
        %sub3A_257 = arith.subi %add3A_255, %sub3A_256 : i32
        %mul3A_258 = arith.constant 128 : i32
        %mul3A_259 = arith.muli %sub3A_257, %mul3A_258 : i32
        %multiple_of3A_260 = tpu.assume_multiple %mul3A_259, 8 : i32
        %dma_start3A_261 = arith.constant 3 : i32
        %dma_start3A_262 = arith.constant 0 : i32
        %dma_start3A_263 = arith.constant 0 : i32
        %dma_start3A_264 = tpu.memref_slice %arg6[%dma_start3A_261, %dma_start3A_262, %dma_start3A_263] : memref<4x128x128xf32, #tpu.memory_space<vmem>> -> memref<1x128x128xf32, #tpu.memory_space<vmem>>
        %dma_start3A_265 = tpu.memref_squeeze %dma_start3A_264 : memref<1x128x128xf32, #tpu.memory_space<vmem>> -> memref<128x128xf32, #tpu.memory_space<vmem>>
        %dma_start3A_266 = tpu.memref_slice %arg5[%multiple_of3A_260] : memref<25600xi32, #tpu.memory_space<vmem>> -> memref<128xi32, #tpu.memory_space<vmem>>
        %dma_start3A_267 = arith.constant 0 : i32
        %dma_start3A_268 = arith.constant 0 : i32
        %dma_start3A_269 = tpu.memref_slice %arg2[%dma_start3A_267, %dma_start3A_268] : memref<100000x128xf32, #tpu.memory_space<hbm>> -> memref<100000x128xf32, #tpu.memory_space<hbm>>
        tpu.enqueue_indirect_dma source(%dma_start3A_269 : memref<100000x128xf32, #tpu.memory_space<hbm>>) target(%dma_start3A_265 : memref<128x128xf32, #tpu.memory_space<vmem>>) offsets(%dma_start3A_266 : memref<128xi32, #tpu.memory_space<vmem>>) semaphore(%arg10 : memref<!tpu.dma_semaphore, #tpu.memory_space<semaphore_mem>>)
      } else {
      }
      %eq3A = arith.constant 0 : i32
      %eq3A_125 = arith.cmpi eq, %scan3A_91, %eq3A : i32
      %convert_element_type3A_126 = arith.extui %eq3A_125 : i1 to i32
      %cond3A_127 = arith.constant 0 : i32
      %cond3A_128 = arith.cmpi ne, %convert_element_type3A_126, %cond3A_127 : i32
      scf.if %cond3A_128 {
        %add3A_241 = arith.constant 4 : i32
        %add3A_242 = arith.addi %add3A_95, %add3A_241 : i32
        %sub3A_243 = arith.constant 1 : i32
        %sub3A_244 = arith.subi %add3A_242, %sub3A_243 : i32
        %mul3A_245 = arith.constant 128 : i32
        %mul3A_246 = arith.muli %sub3A_244, %mul3A_245 : i32
        %multiple_of3A_247 = tpu.assume_multiple %mul3A_246, 8 : i32
        %dma_start3A_248 = arith.constant 3 : i32
        %dma_start3A_249 = arith.constant 0 : i32
        %dma_start3A_250 = arith.constant 0 : i32
        %dma_start3A_251 = tpu.memref_slice %arg6[%dma_start3A_248, %dma_start3A_249, %dma_start3A_250] : memref<4x128x128xf32, #tpu.memory_space<vmem>> -> memref<1x128x128xf32, #tpu.memory_space<vmem>>
        %dma_start3A_252 = tpu.memref_squeeze %dma_start3A_251 : memref<1x128x128xf32, #tpu.memory_space<vmem>> -> memref<128x128xf32, #tpu.memory_space<vmem>>
        %dma_start3A_253 = tpu.memref_slice %arg5[%multiple_of3A_247] : memref<25600xi32, #tpu.memory_space<vmem>> -> memref<128xi32, #tpu.memory_space<vmem>>
        %dma_start3A_254 = arith.constant 0 : i32
        %dma_start3A_255 = arith.constant 0 : i32
        %dma_start3A_256 = tpu.memref_slice %arg2[%dma_start3A_254, %dma_start3A_255] : memref<100000x128xf32, #tpu.memory_space<hbm>> -> memref<100000x128xf32, #tpu.memory_space<hbm>>
        tpu.enqueue_indirect_dma source(%dma_start3A_256 : memref<100000x128xf32, #tpu.memory_space<hbm>>) target(%dma_start3A_252 : memref<128x128xf32, #tpu.memory_space<vmem>>) offsets(%dma_start3A_253 : memref<128xi32, #tpu.memory_space<vmem>>) semaphore(%arg10 : memref<!tpu.dma_semaphore, #tpu.memory_space<semaphore_mem>>)
      } else {
      }
      %add3A_129 = arith.constant 1 : i32
      %add3A_130 = arith.addi %mul3A_93, %add3A_129 : i32
      %dma_wait3A_131 = arith.constant 1 : i32
      %dma_wait3A_132 = arith.constant 0 : i32
      %dma_wait3A_133 = arith.constant 0 : i32
      %dma_wait3A_134 = tpu.memref_slice %arg6[%dma_wait3A_131, %dma_wait3A_132, %dma_wait3A_133] : memref<4x128x128xf32, #tpu.memory_space<vmem>> -> memref<1x128x128xf32, #tpu.memory_space<vmem>>
      %dma_wait3A_135 = tpu.memref_squeeze %dma_wait3A_134 : memref<1x128x128xf32, #tpu.memory_space<vmem>> -> memref<128x128xf32, #tpu.memory_space<vmem>>
      %dma_wait3A_136 = arith.constant 0 : i32
      %dma_wait3A_137 = tpu.memref_slice %arg5[%dma_wait3A_136] : memref<25600xi32, #tpu.memory_space<vmem>> -> memref<128xi32, #tpu.memory_space<vmem>>
      %dma_wait3A_138 = arith.constant 0 : i32
      %dma_wait3A_139 = arith.constant 0 : i32
      %dma_wait3A_140 = tpu.memref_slice %arg2[%dma_wait3A_138, %dma_wait3A_139] : memref<100000x128xf32, #tpu.memory_space<hbm>> -> memref<100000x128xf32, #tpu.memory_space<hbm>>
      tpu.wait_indirect_dma semaphore(%arg8 : memref<!tpu.dma_semaphore, #tpu.memory_space<semaphore_mem>>) src(%dma_wait3A_140 : memref<100000x128xf32, #tpu.memory_space<hbm>>) dst(%dma_wait3A_135 : memref<128x128xf32, #tpu.memory_space<vmem>>)
      %mul3A_141 = arith.constant 128 : i32
      %mul3A_142 = arith.muli %add3A_130, %mul3A_141 : i32
      %add3A_143 = arith.addi %multiple_of3A, %mul3A_142 : i32
      %multiple_of3A_144 = tpu.assume_multiple %add3A_143, 8 : i32
      %dma_start3A_145 = arith.constant 1 : i32
      %dma_start3A_146 = arith.constant 0 : i32
      %dma_start3A_147 = arith.constant 0 : i32
      %dma_start3A_148 = tpu.memref_slice %arg6[%dma_start3A_145, %dma_start3A_146, %dma_start3A_147] : memref<4x128x128xf32, #tpu.memory_space<vmem>> -> memref<1x128x128xf32, #tpu.memory_space<vmem>>
      %dma_start3A_149 = tpu.memref_squeeze %dma_start3A_148 : memref<1x128x128xf32, #tpu.memory_space<vmem>> -> memref<128x128xf32, #tpu.memory_space<vmem>>
      %dma_start3A_150 = arith.constant 0 : i32
      %dma_start3A_151 = tpu.memref_slice %arg4[%multiple_of3A_144, %dma_start3A_150] : memref<819200x128xf32, #tpu.memory_space<hbm>> -> memref<128x128xf32, #tpu.memory_space<hbm>>
      %dma_start3A_152 = arith.constant 0 : i32
      %dma_start3A_153 = tpu.memref_slice %arg4[%multiple_of3A_144, %dma_start3A_152] : memref<819200x128xf32, #tpu.memory_space<hbm>> -> memref<128x128xf32, #tpu.memory_space<hbm>>
      %dma_start3A_154 = arith.constant 0 : i32
      %dma_start3A_155 = arith.constant 0 : i32
      %dma_start3A_156 = tpu.memref_slice %arg6[%dma_start3A_145, %dma_start3A_154, %dma_start3A_155] : memref<4x128x128xf32, #tpu.memory_space<vmem>> -> memref<1x128x128xf32, #tpu.memory_space<vmem>>
      %dma_start3A_157 = tpu.memref_squeeze %dma_start3A_156 : memref<1x128x128xf32, #tpu.memory_space<vmem>> -> memref<128x128xf32, #tpu.memory_space<vmem>>
      tpu.enqueue_dma source(%dma_start3A_157 : memref<128x128xf32, #tpu.memory_space<vmem>>) target(%dma_start3A_153 : memref<128x128xf32, #tpu.memory_space<hbm>>) target_semaphore(%arg12 : memref<!tpu.dma_semaphore, #tpu.memory_space<semaphore_mem>>)
      %add3A_158 = arith.constant 4 : i32
      %add3A_159 = arith.addi %add3A_130, %add3A_158 : i32
      %sub3A = arith.constant 1 : i32
      %sub3A_160 = arith.subi %add3A_159, %sub3A : i32
      %lt3A = arith.constant 200 : i32
      %lt3A_161 = arith.cmpi slt, %sub3A_160, %lt3A : i32
      %convert_element_type3A_162 = arith.extui %lt3A_161 : i1 to i32
      %cond3A_163 = arith.constant 0 : i32
      %cond3A_164 = arith.cmpi ne, %convert_element_type3A_162, %cond3A_163 : i32
      scf.if %cond3A_164 {
        %dma_wait3A_241 = arith.constant 0 : i32
        %dma_wait3A_242 = arith.constant 0 : i32
        %dma_wait3A_243 = arith.constant 0 : i32
        %dma_wait3A_244 = tpu.memref_slice %arg6[%dma_wait3A_241, %dma_wait3A_242, %dma_wait3A_243] : memref<4x128x128xf32, #tpu.memory_space<vmem>> -> memref<1x128x128xf32, #tpu.memory_space<vmem>>
        %dma_wait3A_245 = tpu.memref_squeeze %dma_wait3A_244 : memref<1x128x128xf32, #tpu.memory_space<vmem>> -> memref<128x128xf32, #tpu.memory_space<vmem>>
        %dma_wait3A_246 = arith.constant 0 : i32
        %dma_wait3A_247 = tpu.memref_slice %arg4[%multiple_of3A, %dma_wait3A_246] : memref<819200x128xf32, #tpu.memory_space<hbm>> -> memref<128x128xf32, #tpu.memory_space<hbm>>
        %dma_wait3A_248 = arith.constant 0 : i32
        %dma_wait3A_249 = tpu.memref_slice %arg4[%multiple_of3A, %dma_wait3A_248] : memref<819200x128xf32, #tpu.memory_space<hbm>> -> memref<128x128xf32, #tpu.memory_space<hbm>>
        %dma_wait3A_250 = arith.constant 0 : i32
        %dma_wait3A_251 = arith.constant 0 : i32
        %dma_wait3A_252 = tpu.memref_slice %arg6[%dma_wait3A_241, %dma_wait3A_250, %dma_wait3A_251] : memref<4x128x128xf32, #tpu.memory_space<vmem>> -> memref<1x128x128xf32, #tpu.memory_space<vmem>>
        %dma_wait3A_253 = tpu.memref_squeeze %dma_wait3A_252 : memref<1x128x128xf32, #tpu.memory_space<vmem>> -> memref<128x128xf32, #tpu.memory_space<vmem>>
        tpu.wait_dma2 semaphore(%arg11 : memref<!tpu.dma_semaphore, #tpu.memory_space<semaphore_mem>>) src(%dma_wait3A_253 : memref<128x128xf32, #tpu.memory_space<vmem>>) dst(%dma_wait3A_249 : memref<128x128xf32, #tpu.memory_space<hbm>>)
        %add3A_254 = arith.constant 4 : i32
        %add3A_255 = arith.addi %add3A_130, %add3A_254 : i32
        %sub3A_256 = arith.constant 1 : i32
        %sub3A_257 = arith.subi %add3A_255, %sub3A_256 : i32
        %mul3A_258 = arith.constant 128 : i32
        %mul3A_259 = arith.muli %sub3A_257, %mul3A_258 : i32
        %multiple_of3A_260 = tpu.assume_multiple %mul3A_259, 8 : i32
        %dma_start3A_261 = arith.constant 0 : i32
        %dma_start3A_262 = arith.constant 0 : i32
        %dma_start3A_263 = arith.constant 0 : i32
        %dma_start3A_264 = tpu.memref_slice %arg6[%dma_start3A_261, %dma_start3A_262, %dma_start3A_263] : memref<4x128x128xf32, #tpu.memory_space<vmem>> -> memref<1x128x128xf32, #tpu.memory_space<vmem>>
        %dma_start3A_265 = tpu.memref_squeeze %dma_start3A_264 : memref<1x128x128xf32, #tpu.memory_space<vmem>> -> memref<128x128xf32, #tpu.memory_space<vmem>>
        %dma_start3A_266 = tpu.memref_slice %arg5[%multiple_of3A_260] : memref<25600xi32, #tpu.memory_space<vmem>> -> memref<128xi32, #tpu.memory_space<vmem>>
        %dma_start3A_267 = arith.constant 0 : i32
        %dma_start3A_268 = arith.constant 0 : i32
        %dma_start3A_269 = tpu.memref_slice %arg2[%dma_start3A_267, %dma_start3A_268] : memref<100000x128xf32, #tpu.memory_space<hbm>> -> memref<100000x128xf32, #tpu.memory_space<hbm>>
        tpu.enqueue_indirect_dma source(%dma_start3A_269 : memref<100000x128xf32, #tpu.memory_space<hbm>>) target(%dma_start3A_265 : memref<128x128xf32, #tpu.memory_space<vmem>>) offsets(%dma_start3A_266 : memref<128xi32, #tpu.memory_space<vmem>>) semaphore(%arg7 : memref<!tpu.dma_semaphore, #tpu.memory_space<semaphore_mem>>)
      } else {
      }
      %add3A_165 = arith.constant 2 : i32
      %add3A_166 = arith.addi %mul3A_93, %add3A_165 : i32
      %dma_wait3A_167 = arith.constant 2 : i32
      %dma_wait3A_168 = arith.constant 0 : i32
      %dma_wait3A_169 = arith.constant 0 : i32
      %dma_wait3A_170 = tpu.memref_slice %arg6[%dma_wait3A_167, %dma_wait3A_168, %dma_wait3A_169] : memref<4x128x128xf32, #tpu.memory_space<vmem>> -> memref<1x128x128xf32, #tpu.memory_space<vmem>>
      %dma_wait3A_171 = tpu.memref_squeeze %dma_wait3A_170 : memref<1x128x128xf32, #tpu.memory_space<vmem>> -> memref<128x128xf32, #tpu.memory_space<vmem>>
      %dma_wait3A_172 = arith.constant 0 : i32
      %dma_wait3A_173 = tpu.memref_slice %arg5[%dma_wait3A_172] : memref<25600xi32, #tpu.memory_space<vmem>> -> memref<128xi32, #tpu.memory_space<vmem>>
      %dma_wait3A_174 = arith.constant 0 : i32
      %dma_wait3A_175 = arith.constant 0 : i32
      %dma_wait3A_176 = tpu.memref_slice %arg2[%dma_wait3A_174, %dma_wait3A_175] : memref<100000x128xf32, #tpu.memory_space<hbm>> -> memref<100000x128xf32, #tpu.memory_space<hbm>>
      tpu.wait_indirect_dma semaphore(%arg9 : memref<!tpu.dma_semaphore, #tpu.memory_space<semaphore_mem>>) src(%dma_wait3A_176 : memref<100000x128xf32, #tpu.memory_space<hbm>>) dst(%dma_wait3A_171 : memref<128x128xf32, #tpu.memory_space<vmem>>)
      %mul3A_177 = arith.constant 128 : i32
      %mul3A_178 = arith.muli %add3A_166, %mul3A_177 : i32
      %add3A_179 = arith.addi %multiple_of3A, %mul3A_178 : i32
      %multiple_of3A_180 = tpu.assume_multiple %add3A_179, 8 : i32
      %dma_start3A_181 = arith.constant 2 : i32
      %dma_start3A_182 = arith.constant 0 : i32
      %dma_start3A_183 = arith.constant 0 : i32
      %dma_start3A_184 = tpu.memref_slice %arg6[%dma_start3A_181, %dma_start3A_182, %dma_start3A_183] : memref<4x128x128xf32, #tpu.memory_space<vmem>> -> memref<1x128x128xf32, #tpu.memory_space<vmem>>
      %dma_start3A_185 = tpu.memref_squeeze %dma_start3A_184 : memref<1x128x128xf32, #tpu.memory_space<vmem>> -> memref<128x128xf32, #tpu.memory_space<vmem>>
      %dma_start3A_186 = arith.constant 0 : i32
      %dma_start3A_187 = tpu.memref_slice %arg4[%multiple_of3A_180, %dma_start3A_186] : memref<819200x128xf32, #tpu.memory_space<hbm>> -> memref<128x128xf32, #tpu.memory_space<hbm>>
      %dma_start3A_188 = arith.constant 0 : i32
      %dma_start3A_189 = tpu.memref_slice %arg4[%multiple_of3A_180, %dma_start3A_188] : memref<819200x128xf32, #tpu.memory_space<hbm>> -> memref<128x128xf32, #tpu.memory_space<hbm>>
      %dma_start3A_190 = arith.constant 0 : i32
      %dma_start3A_191 = arith.constant 0 : i32
      %dma_start3A_192 = tpu.memref_slice %arg6[%dma_start3A_181, %dma_start3A_190, %dma_start3A_191] : memref<4x128x128xf32, #tpu.memory_space<vmem>> -> memref<1x128x128xf32, #tpu.memory_space<vmem>>
      %dma_start3A_193 = tpu.memref_squeeze %dma_start3A_192 : memref<1x128x128xf32, #tpu.memory_space<vmem>> -> memref<128x128xf32, #tpu.memory_space<vmem>>
      tpu.enqueue_dma source(%dma_start3A_193 : memref<128x128xf32, #tpu.memory_space<vmem>>) target(%dma_start3A_189 : memref<128x128xf32, #tpu.memory_space<hbm>>) target_semaphore(%arg13 : memref<!tpu.dma_semaphore, #tpu.memory_space<semaphore_mem>>)
      %add3A_194 = arith.constant 4 : i32
      %add3A_195 = arith.addi %add3A_166, %add3A_194 : i32
      %sub3A_196 = arith.constant 1 : i32
      %sub3A_197 = arith.subi %add3A_195, %sub3A_196 : i32
      %lt3A_198 = arith.constant 200 : i32
      %lt3A_199 = arith.cmpi slt, %sub3A_197, %lt3A_198 : i32
      %convert_element_type3A_200 = arith.extui %lt3A_199 : i1 to i32
      %cond3A_201 = arith.constant 0 : i32
      %cond3A_202 = arith.cmpi ne, %convert_element_type3A_200, %cond3A_201 : i32
      scf.if %cond3A_202 {
        %dma_wait3A_241 = arith.constant 1 : i32
        %dma_wait3A_242 = arith.constant 0 : i32
        %dma_wait3A_243 = arith.constant 0 : i32
        %dma_wait3A_244 = tpu.memref_slice %arg6[%dma_wait3A_241, %dma_wait3A_242, %dma_wait3A_243] : memref<4x128x128xf32, #tpu.memory_space<vmem>> -> memref<1x128x128xf32, #tpu.memory_space<vmem>>
        %dma_wait3A_245 = tpu.memref_squeeze %dma_wait3A_244 : memref<1x128x128xf32, #tpu.memory_space<vmem>> -> memref<128x128xf32, #tpu.memory_space<vmem>>
        %dma_wait3A_246 = arith.constant 0 : i32
        %dma_wait3A_247 = tpu.memref_slice %arg4[%multiple_of3A, %dma_wait3A_246] : memref<819200x128xf32, #tpu.memory_space<hbm>> -> memref<128x128xf32, #tpu.memory_space<hbm>>
        %dma_wait3A_248 = arith.constant 0 : i32
        %dma_wait3A_249 = tpu.memref_slice %arg4[%multiple_of3A, %dma_wait3A_248] : memref<819200x128xf32, #tpu.memory_space<hbm>> -> memref<128x128xf32, #tpu.memory_space<hbm>>
        %dma_wait3A_250 = arith.constant 0 : i32
        %dma_wait3A_251 = arith.constant 0 : i32
        %dma_wait3A_252 = tpu.memref_slice %arg6[%dma_wait3A_241, %dma_wait3A_250, %dma_wait3A_251] : memref<4x128x128xf32, #tpu.memory_space<vmem>> -> memref<1x128x128xf32, #tpu.memory_space<vmem>>
        %dma_wait3A_253 = tpu.memref_squeeze %dma_wait3A_252 : memref<1x128x128xf32, #tpu.memory_space<vmem>> -> memref<128x128xf32, #tpu.memory_space<vmem>>
        tpu.wait_dma2 semaphore(%arg12 : memref<!tpu.dma_semaphore, #tpu.memory_space<semaphore_mem>>) src(%dma_wait3A_253 : memref<128x128xf32, #tpu.memory_space<vmem>>) dst(%dma_wait3A_249 : memref<128x128xf32, #tpu.memory_space<hbm>>)
        %add3A_254 = arith.constant 4 : i32
        %add3A_255 = arith.addi %add3A_166, %add3A_254 : i32
        %sub3A_256 = arith.constant 1 : i32
        %sub3A_257 = arith.subi %add3A_255, %sub3A_256 : i32
        %mul3A_258 = arith.constant 128 : i32
        %mul3A_259 = arith.muli %sub3A_257, %mul3A_258 : i32
        %multiple_of3A_260 = tpu.assume_multiple %mul3A_259, 8 : i32
        %dma_start3A_261 = arith.constant 1 : i32
        %dma_start3A_262 = arith.constant 0 : i32
        %dma_start3A_263 = arith.constant 0 : i32
        %dma_start3A_264 = tpu.memref_slice %arg6[%dma_start3A_261, %dma_start3A_262, %dma_start3A_263] : memref<4x128x128xf32, #tpu.memory_space<vmem>> -> memref<1x128x128xf32, #tpu.memory_space<vmem>>
        %dma_start3A_265 = tpu.memref_squeeze %dma_start3A_264 : memref<1x128x128xf32, #tpu.memory_space<vmem>> -> memref<128x128xf32, #tpu.memory_space<vmem>>
        %dma_start3A_266 = tpu.memref_slice %arg5[%multiple_of3A_260] : memref<25600xi32, #tpu.memory_space<vmem>> -> memref<128xi32, #tpu.memory_space<vmem>>
        %dma_start3A_267 = arith.constant 0 : i32
        %dma_start3A_268 = arith.constant 0 : i32
        %dma_start3A_269 = tpu.memref_slice %arg2[%dma_start3A_267, %dma_start3A_268] : memref<100000x128xf32, #tpu.memory_space<hbm>> -> memref<100000x128xf32, #tpu.memory_space<hbm>>
        tpu.enqueue_indirect_dma source(%dma_start3A_269 : memref<100000x128xf32, #tpu.memory_space<hbm>>) target(%dma_start3A_265 : memref<128x128xf32, #tpu.memory_space<vmem>>) offsets(%dma_start3A_266 : memref<128xi32, #tpu.memory_space<vmem>>) semaphore(%arg8 : memref<!tpu.dma_semaphore, #tpu.memory_space<semaphore_mem>>)
      } else {
      }
      %add3A_203 = arith.constant 3 : i32
      %add3A_204 = arith.addi %mul3A_93, %add3A_203 : i32
      %dma_wait3A_205 = arith.constant 3 : i32
      %dma_wait3A_206 = arith.constant 0 : i32
      %dma_wait3A_207 = arith.constant 0 : i32
      %dma_wait3A_208 = tpu.memref_slice %arg6[%dma_wait3A_205, %dma_wait3A_206, %dma_wait3A_207] : memref<4x128x128xf32, #tpu.memory_space<vmem>> -> memref<1x128x128xf32, #tpu.memory_space<vmem>>
      %dma_wait3A_209 = tpu.memref_squeeze %dma_wait3A_208 : memref<1x128x128xf32, #tpu.memory_space<vmem>> -> memref<128x128xf32, #tpu.memory_space<vmem>>
      %dma_wait3A_210 = arith.constant 0 : i32
      %dma_wait3A_211 = tpu.memref_slice %arg5[%dma_wait3A_210] : memref<25600xi32, #tpu.memory_space<vmem>> -> memref<128xi32, #tpu.memory_space<vmem>>
      %dma_wait3A_212 = arith.constant 0 : i32
      %dma_wait3A_213 = arith.constant 0 : i32
      %dma_wait3A_214 = tpu.memref_slice %arg2[%dma_wait3A_212, %dma_wait3A_213] : memref<100000x128xf32, #tpu.memory_space<hbm>> -> memref<100000x128xf32, #tpu.memory_space<hbm>>
      tpu.wait_indirect_dma semaphore(%arg10 : memref<!tpu.dma_semaphore, #tpu.memory_space<semaphore_mem>>) src(%dma_wait3A_214 : memref<100000x128xf32, #tpu.memory_space<hbm>>) dst(%dma_wait3A_209 : memref<128x128xf32, #tpu.memory_space<vmem>>)
      %mul3A_215 = arith.constant 128 : i32
      %mul3A_216 = arith.muli %add3A_204, %mul3A_215 : i32
      %add3A_217 = arith.addi %multiple_of3A, %mul3A_216 : i32
      %multiple_of3A_218 = tpu.assume_multiple %add3A_217, 8 : i32
      %dma_start3A_219 = arith.constant 3 : i32
      %dma_start3A_220 = arith.constant 0 : i32
      %dma_start3A_221 = arith.constant 0 : i32
      %dma_start3A_222 = tpu.memref_slice %arg6[%dma_start3A_219, %dma_start3A_220, %dma_start3A_221] : memref<4x128x128xf32, #tpu.memory_space<vmem>> -> memref<1x128x128xf32, #tpu.memory_space<vmem>>
      %dma_start3A_223 = tpu.memref_squeeze %dma_start3A_222 : memref<1x128x128xf32, #tpu.memory_space<vmem>> -> memref<128x128xf32, #tpu.memory_space<vmem>>
      %dma_start3A_224 = arith.constant 0 : i32
      %dma_start3A_225 = tpu.memref_slice %arg4[%multiple_of3A_218, %dma_start3A_224] : memref<819200x128xf32, #tpu.memory_space<hbm>> -> memref<128x128xf32, #tpu.memory_space<hbm>>
      %dma_start3A_226 = arith.constant 0 : i32
      %dma_start3A_227 = tpu.memref_slice %arg4[%multiple_of3A_218, %dma_start3A_226] : memref<819200x128xf32, #tpu.memory_space<hbm>> -> memref<128x128xf32, #tpu.memory_space<hbm>>
      %dma_start3A_228 = arith.constant 0 : i32
      %dma_start3A_229 = arith.constant 0 : i32
      %dma_start3A_230 = tpu.memref_slice %arg6[%dma_start3A_219, %dma_start3A_228, %dma_start3A_229] : memref<4x128x128xf32, #tpu.memory_space<vmem>> -> memref<1x128x128xf32, #tpu.memory_space<vmem>>
      %dma_start3A_231 = tpu.memref_squeeze %dma_start3A_230 : memref<1x128x128xf32, #tpu.memory_space<vmem>> -> memref<128x128xf32, #tpu.memory_space<vmem>>
      tpu.enqueue_dma source(%dma_start3A_231 : memref<128x128xf32, #tpu.memory_space<vmem>>) target(%dma_start3A_227 : memref<128x128xf32, #tpu.memory_space<hbm>>) target_semaphore(%arg14 : memref<!tpu.dma_semaphore, #tpu.memory_space<semaphore_mem>>)
      %add3A_232 = arith.constant 4 : i32
      %add3A_233 = arith.addi %add3A_204, %add3A_232 : i32
      %sub3A_234 = arith.constant 1 : i32
      %sub3A_235 = arith.subi %add3A_233, %sub3A_234 : i32
      %lt3A_236 = arith.constant 200 : i32
      %lt3A_237 = arith.cmpi slt, %sub3A_235, %lt3A_236 : i32
      %convert_element_type3A_238 = arith.extui %lt3A_237 : i1 to i32
      %cond3A_239 = arith.constant 0 : i32
      %cond3A_240 = arith.cmpi ne, %convert_element_type3A_238, %cond3A_239 : i32
      scf.if %cond3A_240 {
        %dma_wait3A_241 = arith.constant 2 : i32
        %dma_wait3A_242 = arith.constant 0 : i32
        %dma_wait3A_243 = arith.constant 0 : i32
        %dma_wait3A_244 = tpu.memref_slice %arg6[%dma_wait3A_241, %dma_wait3A_242, %dma_wait3A_243] : memref<4x128x128xf32, #tpu.memory_space<vmem>> -> memref<1x128x128xf32, #tpu.memory_space<vmem>>
        %dma_wait3A_245 = tpu.memref_squeeze %dma_wait3A_244 : memref<1x128x128xf32, #tpu.memory_space<vmem>> -> memref<128x128xf32, #tpu.memory_space<vmem>>
        %dma_wait3A_246 = arith.constant 0 : i32
        %dma_wait3A_247 = tpu.memref_slice %arg4[%multiple_of3A, %dma_wait3A_246] : memref<819200x128xf32, #tpu.memory_space<hbm>> -> memref<128x128xf32, #tpu.memory_space<hbm>>
        %dma_wait3A_248 = arith.constant 0 : i32
        %dma_wait3A_249 = tpu.memref_slice %arg4[%multiple_of3A, %dma_wait3A_248] : memref<819200x128xf32, #tpu.memory_space<hbm>> -> memref<128x128xf32, #tpu.memory_space<hbm>>
        %dma_wait3A_250 = arith.constant 0 : i32
        %dma_wait3A_251 = arith.constant 0 : i32
        %dma_wait3A_252 = tpu.memref_slice %arg6[%dma_wait3A_241, %dma_wait3A_250, %dma_wait3A_251] : memref<4x128x128xf32, #tpu.memory_space<vmem>> -> memref<1x128x128xf32, #tpu.memory_space<vmem>>
        %dma_wait3A_253 = tpu.memref_squeeze %dma_wait3A_252 : memref<1x128x128xf32, #tpu.memory_space<vmem>> -> memref<128x128xf32, #tpu.memory_space<vmem>>
        tpu.wait_dma2 semaphore(%arg13 : memref<!tpu.dma_semaphore, #tpu.memory_space<semaphore_mem>>) src(%dma_wait3A_253 : memref<128x128xf32, #tpu.memory_space<vmem>>) dst(%dma_wait3A_249 : memref<128x128xf32, #tpu.memory_space<hbm>>)
        %add3A_254 = arith.constant 4 : i32
        %add3A_255 = arith.addi %add3A_204, %add3A_254 : i32
        %sub3A_256 = arith.constant 1 : i32
        %sub3A_257 = arith.subi %add3A_255, %sub3A_256 : i32
        %mul3A_258 = arith.constant 128 : i32
        %mul3A_259 = arith.muli %sub3A_257, %mul3A_258 : i32
        %multiple_of3A_260 = tpu.assume_multiple %mul3A_259, 8 : i32
        %dma_start3A_261 = arith.constant 2 : i32
        %dma_start3A_262 = arith.constant 0 : i32
        %dma_start3A_263 = arith.constant 0 : i32
        %dma_start3A_264 = tpu.memref_slice %arg6[%dma_start3A_261, %dma_start3A_262, %dma_start3A_263] : memref<4x128x128xf32, #tpu.memory_space<vmem>> -> memref<1x128x128xf32, #tpu.memory_space<vmem>>
        %dma_start3A_265 = tpu.memref_squeeze %dma_start3A_264 : memref<1x128x128xf32, #tpu.memory_space<vmem>> -> memref<128x128xf32, #tpu.memory_space<vmem>>
        %dma_start3A_266 = tpu.memref_slice %arg5[%multiple_of3A_260] : memref<25600xi32, #tpu.memory_space<vmem>> -> memref<128xi32, #tpu.memory_space<vmem>>
        %dma_start3A_267 = arith.constant 0 : i32
        %dma_start3A_268 = arith.constant 0 : i32
        %dma_start3A_269 = tpu.memref_slice %arg2[%dma_start3A_267, %dma_start3A_268] : memref<100000x128xf32, #tpu.memory_space<hbm>> -> memref<100000x128xf32, #tpu.memory_space<hbm>>
        tpu.enqueue_indirect_dma source(%dma_start3A_269 : memref<100000x128xf32, #tpu.memory_space<hbm>>) target(%dma_start3A_265 : memref<128x128xf32, #tpu.memory_space<vmem>>) offsets(%dma_start3A_266 : memref<128xi32, #tpu.memory_space<vmem>>) semaphore(%arg9 : memref<!tpu.dma_semaphore, #tpu.memory_space<semaphore_mem>>)
      } else {
      }
    }
    %scan3A_39 = arith.constant 50 : i32
    %dma_wait3A = arith.constant 0 : i32
    %dma_wait3A_40 = arith.constant 0 : i32
    %dma_wait3A_41 = arith.constant 0 : i32
    %dma_wait3A_42 = tpu.memref_slice %arg6[%dma_wait3A, %dma_wait3A_40, %dma_wait3A_41] : memref<4x128x128xf32, #tpu.memory_space<vmem>> -> memref<1x128x128xf32, #tpu.memory_space<vmem>>
    %dma_wait3A_43 = tpu.memref_squeeze %dma_wait3A_42 : memref<1x128x128xf32, #tpu.memory_space<vmem>> -> memref<128x128xf32, #tpu.memory_space<vmem>>
    %dma_wait3A_44 = arith.constant 0 : i32
    %dma_wait3A_45 = tpu.memref_slice %arg4[%multiple_of3A, %dma_wait3A_44] : memref<819200x128xf32, #tpu.memory_space<hbm>> -> memref<128x128xf32, #tpu.memory_space<hbm>>
    %dma_wait3A_46 = arith.constant 0 : i32
    %dma_wait3A_47 = tpu.memref_slice %arg4[%multiple_of3A, %dma_wait3A_46] : memref<819200x128xf32, #tpu.memory_space<hbm>> -> memref<128x128xf32, #tpu.memory_space<hbm>>
    %dma_wait3A_48 = arith.constant 0 : i32
    %dma_wait3A_49 = arith.constant 0 : i32
    %dma_wait3A_50 = tpu.memref_slice %arg6[%dma_wait3A, %dma_wait3A_48, %dma_wait3A_49] : memref<4x128x128xf32, #tpu.memory_space<vmem>> -> memref<1x128x128xf32, #tpu.memory_space<vmem>>
    %dma_wait3A_51 = tpu.memref_squeeze %dma_wait3A_50 : memref<1x128x128xf32, #tpu.memory_space<vmem>> -> memref<128x128xf32, #tpu.memory_space<vmem>>
    tpu.wait_dma2 semaphore(%arg11 : memref<!tpu.dma_semaphore, #tpu.memory_space<semaphore_mem>>) src(%dma_wait3A_51 : memref<128x128xf32, #tpu.memory_space<vmem>>) dst(%dma_wait3A_47 : memref<128x128xf32, #tpu.memory_space<hbm>>)
    %dma_wait3A_52 = arith.constant 1 : i32
    %dma_wait3A_53 = arith.constant 0 : i32
    %dma_wait3A_54 = arith.constant 0 : i32
    %dma_wait3A_55 = tpu.memref_slice %arg6[%dma_wait3A_52, %dma_wait3A_53, %dma_wait3A_54] : memref<4x128x128xf32, #tpu.memory_space<vmem>> -> memref<1x128x128xf32, #tpu.memory_space<vmem>>
    %dma_wait3A_56 = tpu.memref_squeeze %dma_wait3A_55 : memref<1x128x128xf32, #tpu.memory_space<vmem>> -> memref<128x128xf32, #tpu.memory_space<vmem>>
    %dma_wait3A_57 = arith.constant 0 : i32
    %dma_wait3A_58 = tpu.memref_slice %arg4[%multiple_of3A, %dma_wait3A_57] : memref<819200x128xf32, #tpu.memory_space<hbm>> -> memref<128x128xf32, #tpu.memory_space<hbm>>
    %dma_wait3A_59 = arith.constant 0 : i32
    %dma_wait3A_60 = tpu.memref_slice %arg4[%multiple_of3A, %dma_wait3A_59] : memref<819200x128xf32, #tpu.memory_space<hbm>> -> memref<128x128xf32, #tpu.memory_space<hbm>>
    %dma_wait3A_61 = arith.constant 0 : i32
    %dma_wait3A_62 = arith.constant 0 : i32
    %dma_wait3A_63 = tpu.memref_slice %arg6[%dma_wait3A_52, %dma_wait3A_61, %dma_wait3A_62] : memref<4x128x128xf32, #tpu.memory_space<vmem>> -> memref<1x128x128xf32, #tpu.memory_space<vmem>>
    %dma_wait3A_64 = tpu.memref_squeeze %dma_wait3A_63 : memref<1x128x128xf32, #tpu.memory_space<vmem>> -> memref<128x128xf32, #tpu.memory_space<vmem>>
    tpu.wait_dma2 semaphore(%arg12 : memref<!tpu.dma_semaphore, #tpu.memory_space<semaphore_mem>>) src(%dma_wait3A_64 : memref<128x128xf32, #tpu.memory_space<vmem>>) dst(%dma_wait3A_60 : memref<128x128xf32, #tpu.memory_space<hbm>>)
    %dma_wait3A_65 = arith.constant 2 : i32
    %dma_wait3A_66 = arith.constant 0 : i32
    %dma_wait3A_67 = arith.constant 0 : i32
    %dma_wait3A_68 = tpu.memref_slice %arg6[%dma_wait3A_65, %dma_wait3A_66, %dma_wait3A_67] : memref<4x128x128xf32, #tpu.memory_space<vmem>> -> memref<1x128x128xf32, #tpu.memory_space<vmem>>
    %dma_wait3A_69 = tpu.memref_squeeze %dma_wait3A_68 : memref<1x128x128xf32, #tpu.memory_space<vmem>> -> memref<128x128xf32, #tpu.memory_space<vmem>>
    %dma_wait3A_70 = arith.constant 0 : i32
    %dma_wait3A_71 = tpu.memref_slice %arg4[%multiple_of3A, %dma_wait3A_70] : memref<819200x128xf32, #tpu.memory_space<hbm>> -> memref<128x128xf32, #tpu.memory_space<hbm>>
    %dma_wait3A_72 = arith.constant 0 : i32
    %dma_wait3A_73 = tpu.memref_slice %arg4[%multiple_of3A, %dma_wait3A_72] : memref<819200x128xf32, #tpu.memory_space<hbm>> -> memref<128x128xf32, #tpu.memory_space<hbm>>
    %dma_wait3A_74 = arith.constant 0 : i32
    %dma_wait3A_75 = arith.constant 0 : i32
    %dma_wait3A_76 = tpu.memref_slice %arg6[%dma_wait3A_65, %dma_wait3A_74, %dma_wait3A_75] : memref<4x128x128xf32, #tpu.memory_space<vmem>> -> memref<1x128x128xf32, #tpu.memory_space<vmem>>
    %dma_wait3A_77 = tpu.memref_squeeze %dma_wait3A_76 : memref<1x128x128xf32, #tpu.memory_space<vmem>> -> memref<128x128xf32, #tpu.memory_space<vmem>>
    tpu.wait_dma2 semaphore(%arg13 : memref<!tpu.dma_semaphore, #tpu.memory_space<semaphore_mem>>) src(%dma_wait3A_77 : memref<128x128xf32, #tpu.memory_space<vmem>>) dst(%dma_wait3A_73 : memref<128x128xf32, #tpu.memory_space<hbm>>)
    %dma_wait3A_78 = arith.constant 3 : i32
    %dma_wait3A_79 = arith.constant 0 : i32
    %dma_wait3A_80 = arith.constant 0 : i32
    %dma_wait3A_81 = tpu.memref_slice %arg6[%dma_wait3A_78, %dma_wait3A_79, %dma_wait3A_80] : memref<4x128x128xf32, #tpu.memory_space<vmem>> -> memref<1x128x128xf32, #tpu.memory_space<vmem>>
    %dma_wait3A_82 = tpu.memref_squeeze %dma_wait3A_81 : memref<1x128x128xf32, #tpu.memory_space<vmem>> -> memref<128x128xf32, #tpu.memory_space<vmem>>
    %dma_wait3A_83 = arith.constant 0 : i32
    %dma_wait3A_84 = tpu.memref_slice %arg4[%multiple_of3A, %dma_wait3A_83] : memref<819200x128xf32, #tpu.memory_space<hbm>> -> memref<128x128xf32, #tpu.memory_space<hbm>>
    %dma_wait3A_85 = arith.constant 0 : i32
    %dma_wait3A_86 = tpu.memref_slice %arg4[%multiple_of3A, %dma_wait3A_85] : memref<819200x128xf32, #tpu.memory_space<hbm>> -> memref<128x128xf32, #tpu.memory_space<hbm>>
    %dma_wait3A_87 = arith.constant 0 : i32
    %dma_wait3A_88 = arith.constant 0 : i32
    %dma_wait3A_89 = tpu.memref_slice %arg6[%dma_wait3A_78, %dma_wait3A_87, %dma_wait3A_88] : memref<4x128x128xf32, #tpu.memory_space<vmem>> -> memref<1x128x128xf32, #tpu.memory_space<vmem>>
    %dma_wait3A_90 = tpu.memref_squeeze %dma_wait3A_89 : memref<1x128x128xf32, #tpu.memory_space<vmem>> -> memref<128x128xf32, #tpu.memory_space<vmem>>
    tpu.wait_dma2 semaphore(%arg14 : memref<!tpu.dma_semaphore, #tpu.memory_space<semaphore_mem>>) src(%dma_wait3A_90 : memref<128x128xf32, #tpu.memory_space<vmem>>) dst(%dma_wait3A_86 : memref<128x128xf32, #tpu.memory_space<hbm>>)
    return
  }
}

</mosaic_0001>

<sc_bundles>
// kernel: kernel.3.cloned.1.call-start
scs
__scs_entry_jumppad:
0x0: {  	(pc) =	sbr.rel $0x88, $3  }
0x1: {  	(tag) =	ssettag $0x0;
	lr =	simm.s32 $0x1  }
0x2: {  	[smem:$0x3F9F] =	sst lr;
	_ =	strace $0xD0000000  }
0x3: {  	_ = 	snop  }
0x4: {  	_ = 	snop  }
0x5: {  	_ = 	snop  }
0x6: {  	_ = 	snop  }
0x7: {  	_ = 	snop  }
__scs_overlays_trampoline_lowered:
0x8: {  	[smem:$0x3FAE] =	sst s0  }
0x9: {  	[smem:$0x3FAF] =	sst s1  }
0xa: {  	[smem:$0x3FB0] =	sst s2  }
0xb: {  	[smem:$0x3FB1] =	sst s3  }
0xc: {  	[smem:$0x3FB2] =	sst s4  }
0xd: {  	[smem:$0x3FB3] =	sst s5  }
0xe: {  	[smem:$0x3FB4] =	sst s6  }
0xf: {  	[smem:$0x3FB5] =	sst s7  }
0x10: {  	[smem:$0x3FB6] =	sst s8  }
0x11: {  	[smem:$0x3FB7] =	sst s9;
	s0 =	simm.s32 @!p0 $0x0  }
0x12: {  	s1 =	sld [smem:$0x3F9D];
	s0 =	simm.s32 @p0 $0x1  }
0x13: {  	[smem:$0x3FB8] =	sst s0;
	s0 =	simm.s32 @!p1 $0x0  }
0x14: {  	s2 =	sld [smem:$0x3F9C];
	s0 =	simm.s32 @p1 $0x1  }
0x15: {  	[smem:$0x3FB9] =	sst s0;
	s0 =	simm.s32 @!p2 $0x0  }
0x16: {  	s3 =	sld [smem:$0x3FDB];
	s0 =	simm.s32 @p2 $0x1  }
0x17: {  	s4 =	simm.s32 $0x1BF5;
	[smem:$0x3FBB] =	sst s0  }
0x18: {  	s0 =	sld [smem:$0x3F9E];
	_ =	swait.ge [sflag:s4], $0x0  }
0x19: {  	s7 =	sld [smem:$0x3F9F]  }
0x1a: {  	s8 =	sadd.s32 $0xFFFFE003, lr  }
0x1b: {  	s9 =	sadd.s32 $0xFFFFFEF7, lr;
	s5 =	simm.s32 $0xFFFFFFFF;
	p2 =	slt.u32 s8, $0xFFFFF086  }
0x1c: {  	p1 =	slt.u32 s9, $0xF7A;
	s5 =	simm.s32 @!p2 $0x0  }
0x1d: {  	s5 =	simm.s32 @p1 $0x1;
	p0 =	seq.s32 s7, s2  }
0x1e: {  	s7 =	smul.u32 @!p0 $0xF7A, s2;
	p2 =	seq.s32 @!p0 s5, $0x0  }
0x1f: {  	s9 =	smul.u32 $0xF7A, s1;
	s8 =	simm.s32 @!p0 $0x1BF5;
	p2 =	por !p2, p0  }
0x20: {  	[sflag:s8] =	ssyncset.s32 @!p0 $0xFFFFF086;
	s6 =	sadd.s32 @!p0 s3, s7;
	s7 =	simm.s32 @!p0 $0x108  }
0x21: {  	s3 =	sadd.s32 s3, s9;
	s6 =	sadd.s32 @!p0 $0x88, s6;
	s7 =	simm.s32 @p2 $0x1082  }
0x22: {  	[simem:s7], [sflag:s8] =	dma.local @!p0 [hbm:s6], $0xF7A  }
0x23: {  	s9 =	sor.u32 $0xD0000000, s2;
	s6 =	simm.s32 $0x108;
	_ =	swait.ge @!p0 [sflag:s8], $0x0  }
0x24: {  	s3 =	sadd.s32 $0x88, s3;
	s6 =	simm.s32 @!p1 $0x1082;
	[sflag:s4] =	ssyncset.s32 $0xFFFFF086  }
0x25: {  	[simem:s6], [sflag:s4] =	dma.local [hbm:s3], $0xF7A  }
0x26: {  	[smem:$0x3F9F] =	sst s1;
	(tag) =	ssettag s2;
	_ =	strace s9  }
0x27: {  	s1 =	sld [smem:$0x3FAF]  }
0x28: {  	s2 =	sld [smem:$0x3FB0]  }
0x29: {  	s4 =	sld [smem:$0x3FB2]  }
0x2a: {  	p0 =	seq.s32 s5, $0x0;
	s5 =	sld [smem:$0x3FB3]  }
0x2b: {  	s6 =	sld [smem:$0x3FB4]  }
0x2c: {  	s7 =	sld [smem:$0x3FB5]  }
0x2d: {  	s3 =	simm.s32 $0x108;
	s8 =	sld [smem:$0x3FB6]  }
0x2e: {  	s3 =	simm.s32 @!p0 $0x1082;
	s9 =	sld [smem:$0x3FB7]  }
0x2f: {  	lr =	sadd.s32 s0, s3;
	s0 =	sld [smem:$0x3FAE]  }
0x30: {  	s3 =	sld [smem:$0x3FB1]  }
0x31: {  	[smem:$0x3FBA] =	sst s10  }
0x32: {  	s10 =	sld [smem:$0x3FB8];
	_ =	sdelay $0x3  }
0x33: {  	p0 =	seq.s32 s10, $0x1;
	s10 =	sld [smem:$0x3FBA];
	_ =	sdelay $0x3  }
0x34: {  	[smem:$0x3FBA] =	sst s10  }
0x35: {  	s10 =	sld [smem:$0x3FB9];
	_ =	sdelay $0x3  }
0x36: {  	p1 =	seq.s32 s10, $0x1;
	s10 =	sld [smem:$0x3FBA];
	_ =	sdelay $0x3  }
0x37: {  	[smem:$0x3FBA] =	sst s10  }
0x38: {  	s10 =	sld [smem:$0x3FBB]  }
0x39: {  	_ = 	snop;
	(pc) =	sbr.ind lr, $3  }
0x3a: {  	_ = 	snop  }
0x3b: {  	_ = 	snop  }
0x3c: {  	p2 =	seq.s32 s10, $0x1;
	s10 =	sld [smem:$0x3FBA]  }
0x3d: {  	_ =	shalt  }
0x3e: {  	_ =	shalt  }
0x3f: {  	_ =	shalt  }
0x40: {  	_ =	shalt  }
0x41: {  	_ =	shalt  }
0x42: {  	_ =	shalt  }
0x43: {  	_ =	shalt  }
0x44: {  	_ =	shalt  }
0x45: {  	_ =	shalt  }
0x46: {  	_ =	shalt  }
0x47: {  	_ =	shalt  }
0x48: {  	_ =	shalt  }
0x49: {  	_ =	shalt  }
0x4a: {  	_ =	shalt  }
0x4b: {  	_ =	shalt  }
0x4c: {  	_ =	shalt  }
0x4d: {  	_ =	shalt  }
0x4e: {  	_ =	shalt  }
0x4f: {  	_ =	shalt  }
0x50: {  	_ =	shalt  }
0x51: {  	_ =	shalt  }
0x52: {  	_ =	shalt  }
0x53: {  	_ =	shalt  }
0x54: {  	_ =	shalt  }
0x55: {  	_ =	shalt  }
0x56: {  	_ =	shalt  }
0x57: {  	_ =	shalt  }
0x58: {  	_ =	shalt  }
0x59: {  	_ =	shalt  }
0x5a: {  	_ =	shalt  }
0x5b: {  	_ =	shalt  }
0x5c: {  	_ =	shalt  }
0x5d: {  	_ =	shalt  }
0x5e: {  	_ =	shalt  }
0x5f: {  	_ =	shalt  }
0x60: {  	_ =	shalt  }
0x61: {  	_ =	shalt  }
0x62: {  	_ =	shalt  }
0x63: {  	_ =	shalt  }
0x64: {  	_ =	shalt  }
0x65: {  	_ =	shalt  }
0x66: {  	_ =	shalt  }
0x67: {  	_ =	shalt  }
0x68: {  	_ =	shalt  }
0x69: {  	_ =	shalt  }
0x6a: {  	_ =	shalt  }
0x6b: {  	_ =	shalt  }
0x6c: {  	_ =	shalt  }
0x6d: {  	_ =	shalt  }
0x6e: {  	_ =	shalt  }
0x6f: {  	_ =	shalt  }
0x70: {  	_ =	shalt  }
0x71: {  	_ =	shalt  }
0x72: {  	_ =	shalt  }
0x73: {  	_ =	shalt  }
0x74: {  	_ =	shalt  }
0x75: {  	_ =	shalt  }
0x76: {  	_ =	shalt  }
0x77: {  	_ =	shalt  }
0x78: {  	_ =	shalt  }
0x79: {  	_ =	shalt  }
0x7a: {  	_ =	shalt  }
0x7b: {  	_ =	shalt  }
0x7c: {  	_ =	shalt  }
0x7d: {  	_ =	shalt  }
0x7e: {  	_ =	shalt  }
0x7f: {  	_ =	shalt  }
0x80: {  	_ =	shalt  }
0x81: {  	_ =	shalt  }
0x82: {  	_ =	shalt  }
0x83: {  	_ =	shalt  }
0x84: {  	_ =	shalt  }
0x85: {  	_ =	shalt  }
0x86: {  	_ =	shalt  }
0x87: {  	_ =	shalt  }
.Lfunc_end0:
.L_simem_size_0:
called_computation_lowered:
.L_overlay_start_0:
0x88: {  	s2 =	sld [smem:$0x3FD9]  }
0x89: {  	s3 =	sld [smem:$0x3FFE];
	_ =	sdelay $0x1  }
0x8a: {  	s1 =	srdreg.scid  }
0x8b: {  	s0 =	sand.u32 $0x1, s1  }
0x8c: {  	s17 =	sshll.u32 s0, $0xA;
	s2 =	sadd.s32 s3, s2  }
0x8d: {  	s2 =	sadd.s32 s2, s17  }
0x8e: {  	[smem:$0x3FC6] =	sst s2  }
0x8f: {  	_ = 	snop  }
0x90: {  	s2 =	sld [smem:$0x3FC8]  }
0x91: {  	s18 =	sld [smem:$0x3FD0];
	(tm) =	ssettm $0x1  }
0x92: {  	s4 =	sld [smem:$0x3FFB];
	_ =	sdelay $0x3  }
0x93: {  	_ =	strace s4  }
0x94: {  	s4 =	sld [smem:$0x3FFC];
	_ =	sdelay $0x3  }
0x95: {  	_ =	strace s4  }
0x96: {  	s4 =	sld [smem:$0x3FFD];
	_ =	sdelay $0x3  }
0x97: {  	_ =	strace s4  }
0x98: {  	_ =	strace $0x8FFFFFFF  }
0x99: {  	s19 =	sld [smem:$0x3FDB];
	_ =	sdelay $0x1  }
0x9a: {  	s5 =	simm.s32 $_scs_section_size  }
0x9b: {  	s6 =	simm.s32 $_size__tile_overlayer_lowered;
	s7 =	simm.s32 $_tile_overlayer_lowered  }
0x9c: {  	s22 =	simm.s32 $0x1BFF;
	s21 =	sshll.u32 s7, $0x1;
	s4 =	sadd.s32 s5, s19  }
0x9d: {  	s8 =	simm.s32 $0x0;
	s20 =	sshll.u32 s6, $0x1;
	s6 =	sadd.s32 s21, s4  }
0x9e: {  	[timem:s8], [sflag:s22] =	dma.local [hbm:s6], s20  }
0x9f: {  	_ =	swait.ge [sflag:s22], s20  }
0xa0: {  	s5 =	ssub.s32 $0x0, s20;
	[sflag:s22] =	ssyncset.done $0x0  }
0xa1: {  	[sflag:s22] =	ssyncadd.s32 s5;
	_ =	sdelay $0x1  }
0xa2: {  	s23 =	simm.s32 $0x1B8B  }
0xa3: {  	_ =	swait.ge [sflag:s23], $0x1  }
0xa4: {  	[sflag:s23] =	ssyncset.done $0x0  }
0xa5: {  	s25 =	simm.s32 $0x1B8E;
	s24 =	sld [smem:$0x3FFE];
	[sflag:s23] =	ssyncadd.s32 $0xFFFFFFFF  }
0xa6: {  	s26 =	simm.s32 $execute0_lowered;
	[smem:$0x3FD2] =	sst s25  }
0xa7: {  	s6 =	sshll.u32 s26, $0x1;
	_ =	strace $0x80000046;
	[dreg:$0x1] =	wrdreg $0xFFFFFFFF  }
0xa8: {  	s28 =	simm.s32 $_size_execute0_lowered;
	s4 =	sadd.s32 s4, s6;
	[dreg:$0x0] =	wrdreg $0x0  }
0xa9: {  	s6 =	sshll.u32 s28, $0x1;
	[dreg:$0x2] =	wrdreg s4  }
0xaa: {  	[dreg:$0x3] =	wrdreg s6  }
0xab: {  	[dreg:$0x4] =	wrdreg $0xC0  }
0xac: {  	_ =	task [dreg:s8], $0x5FFFF  }
0xad: {  	[dreg:$0x1] =	wrdreg $0xFFFFFFFF  }
0xae: {  	[dreg:$0x0] =	wrdreg $0x60  }
0xaf: {  	[dreg:$0x2] =	wrdreg s2  }
0xb0: {  	[dreg:$0x3] =	wrdreg s24  }
0xb1: {  	[dreg:$0x4] =	wrdreg s18  }
0xb2: {  	[dreg:$0x5] =	wrdreg $0x9  }
0xb3: {  	_ =	task.clear_ibuf [dreg:s8], $0x6FFFF;
	_ =	strace $0x90000046  }
0xb4: {  	s29 =	simm.s32 $0x9;
	_ =	strace $0x80000048  }
0xb5: {  	_ =	swait.ge [sflag:s29], $0x1  }
0xb6: {  	[sflag:s29] =	ssyncadd.s32 $0xFFFFFFFF  }
0xb7: {  	_ =	strace $0x90000048  }
0xb8: {  	_ =	sfence  }
0xb9: {  	s30 =	sld [smem:$0x0];
	_ =	sdelay $0x2  }
0xba: {  	s31 =	sshll.u32 s1, $0xD;
	s1 =	sshrl.u32 s1, $0x2  }
0xbb: {  	s3 =	sand.u32 $0x4000, s31;
	s1 =	sadd.s32 s1, s30  }
0xbc: {  	s0 =	sor.u32 s3, s0;
	s1 =	sshll.u32 s1, $0x11  }
0xbd: {  	s0 =	sor.u32 s1, s0  }
0xbe: {  	s0 =	sadd.s32 $0x8F2B, s0  }
0xbf: {  	[sflag:s0] =	ssyncadd.remote.s32 $0x1  }
0xc0: {  	_ =	sfence.sel $0xFFFF  }
0xc1: {  	[dreg:$0x0] =	wrdreg $0xFFFFFFFF;
	(pc) =	sbr.abs _section_cstart, $3  }
0xc2: {  	[dreg:$0x1] =	wrdreg $0xFFFFFFFF  }
0xc3: {  	_ =	task.clear_ibuf [dreg:s8], $0x2FFFF;
	_ =	strace $0x9FFFFFFF  }
0xc4: {  	(tm) =	ssettm $0x7FFFFFFF  }
0xc5: {  	_ =	shalt  }
tec
execute0_lowered:
.L_overlay_start_1:
0x0: {  	(tag) =	ssettag $0x1  }
0x1: {  	s1 =	rddreg [dreg:$0x0]  }
0x2: {  	s4 =	rddreg [dreg:$0x1];
	s2 =	srdreg.scid  }
0x3: {  	s0 =	stileid.u32;
	s7 =	rddreg [dreg:$0x2];
	s3 =	simm.s32 $0x0  }
0x4: {  	s12 =	simm.s32 $0xA400;
	s13 =	simm.s32 $0x100;
	s14 =	simm.s32 $0xE400  }
0x5: {  	s15 =	simm.s32 $0x1;
	s16 =	simm.s32 $0x12400;
	s17 =	simm.s32 $0x2  }
0x6: {  	s18 =	simm.s32 $0x4;
	s19 =	simm.s32 $0x5;
	s20 =	simm.s32 $0x6  }
0x7: {  	s21 =	simm.s32 $0x7;
	s22 =	simm.s32 $0x8;
	s10 =	smul.u32 $0x640000, s0  }
0x8: {  	s23 =	simm.s32 $0x0;
	s6 =	sand.u32 $0x1, s2;
	s28 =	smul.u32 $0xC8000, s0  }
0x9: {  	s5 =	sshll.u32 s0, $0x1;
	s2 =	rddreg [dreg:$0x3];
	s11 =	smul.u32 $0x320000, s6  }
0xa: {  	s5 =	sor.u32 s6, s5;
	s25 =	ssub.s32 $0x2, s6;
	s29 =	smul.u32 $0x64000, s6  }
0xb: {  	[smem:$0x7FF] =	sst s3;
	s8 =	smul.u32 $0x6400, s5;
	s26 =	sshrl.u32 s25, $0x1  }
0xc: {  	_ =	strace $0x80000047;
	s9 =	smul.u32 $0x64000, s5;
	s5 =	ssub.s32 s25, s26  }
.Ltmp0:
0xd: {  	s10 =	sadd.s32 s11, s10;
	s11 =	simm.s32 $0x6400;
	(pc) =	sbr.rel .LBB2_1-.Ltmp0, $4  }
0xe: {  	s24 =	sshrl.u32 s8, $0x3;
	s5 =	smax.u32 s5, $0x1;
	s30 =	sadd.s32 s7, s9  }
0xf: {  	s31 =	sshrl.u32 s10, $0x3;
	s8 =	sadd.s32 s28, s7;
	s9 =	simm.s32 $0x9  }
0x10: {  	s10 =	simm.s32 $0x80;
	s4 =	sadd.s32 s24, s4;
	s6 =	sadd.s32 $0x63000, s30  }
0x11: {  	s7 =	sadd.s32 s31, s7;
	s8 =	sadd.s32 s29, s8;
	s4 =	sadd.s32 $0x400, s4  }
.LBB2_4:
0x12: {  	_ =	swait.ge [sflag:s19], $0x4000  }
0x13: {  	[sflag:s19] =	ssyncset.done $0x0  }
0x14: {  	[sflag:s19] =	ssyncadd.s32 $0xFFFFC000  }
0x15: {  	_ =	swait.ge [sflag:s20], $0x4000  }
0x16: {  	[sflag:s20] =	ssyncset.done $0x0  }
0x17: {  	s23 =	sadd.s32 $0x1, s23;
	[sflag:s20] =	ssyncadd.s32 $0xFFFFC000  }
0x18: {  	p0 =	sne.s32 s23, s5;
	_ =	swait.ge [sflag:s21], $0x4000  }
.Ltmp1:
0x19: {  	[sflag:s21] =	ssyncset.done $0x0;
	(pc) =	sbr.rel @!p0 .LBB2_5-.Ltmp1, $4  }
0x1a: {  	[sflag:s21] =	ssyncadd.s32 $0xFFFFC000  }
0x1b: {  	_ =	swait.ge [sflag:s22], $0x4000  }
0x1c: {  	[sflag:s22] =	ssyncset.done $0x0  }
0x1d: {  	[sflag:s22] =	ssyncadd.s32 $0xFFFFC000  }
.LBB2_1:
0x1e: {  	[tilespmem:s3], [sflag:$0x9] =	stream.linear.gather [hbm4b:s4+s3], $0x6400, $0x38;
	[tilespmem:$0x16400] =	vst v63  }
0x1f: {  	_ =	swait.ge [sflag:s9], $0x6400  }
0x20: {  	[sflag:s9] =	ssyncset.done $0x0  }
0x21: {  	[sflag:s9] =	ssyncadd.s32 $0xFFFF9C00  }
0x22: {  	[tilespmem:s11], [sflag:$0x1] =	stream.indirect.gather [hbm4b:s1+s10], $0x80, s3, s10, $0xb8;
	[tilespmem:$0x16400] =	vst v63  }
0x23: {  	_ = 	snop  }
0x24: {  	[tilespmem:s12], [sflag:$0x2] =	stream.indirect.gather [hbm4b:s1+s10], $0x80, s10, s10, $0xb8;
	[tilespmem:$0x16400] =	vst v63  }
0x25: {  	s24 =	simm.s32 $0x0;
	s25 =	simm.s32 $0x0  }
0x26: {  	[tilespmem:s14], [sflag:$0x3] =	stream.indirect.gather [hbm4b:s1+s10], $0x80, s13, s10, $0xb8;
	[tilespmem:$0x16400] =	vst v63  }
.LBB2_2:
0x27: {  	_ =	swait.ge [sflag:s15], $0x4000  }
0x28: {  	[sflag:s15] =	ssyncset.done $0x0  }
0x29: {  	s26 =	sadd.s32 s25, s7;
	p0 =	seq.s32 s25, $0x0;
	[sflag:s15] =	ssyncadd.s32 $0xFFFFC000  }
0x2a: {  	[hbm4b:s26+s3] =	stream.linear.scatter [tilespmem:s11], [sflag:$0x5], $0x4000, $0x38;
	[tilespmem:$0x16400] =	vst v63  }
0x2b: {  	s26 =	simm.s32 @!p0 $0x8  }
0x2c: {  	s28 =	smov.u32 s24;
	_ =	swait.ge @!p0 [sflag:s26], $0x4000  }
0x2d: {  	s28 =	simm.s32 @p0 $0x0;
	[sflag:s26] =	ssyncset.done @!p0 $0x0  }
0x2e: {  	s30 =	sadd.s32 $0x180, s28;
	[sflag:s26] =	ssyncadd.s32 @!p0 $0xFFFFC000  }
0x2f: {  	[tilespmem:s16], [sflag:$0x4] =	stream.indirect.gather [hbm4b:s1+s10], $0x80, s30, s10, $0xb8;
	[tilespmem:$0x16400] =	vst v63  }
0x30: {  	_ =	swait.ge [sflag:s17], $0x4000  }
0x31: {  	s26 =	sadd.s32 s25, s8;
	p0 =	seq.s32 s25, $0x62000;
	[sflag:s17] =	ssyncset.done $0x0  }
0x32: {  	s31 =	sadd.s32 $0x800, s26;
	s28 =	simm.s32 @p0 $0x3;
	[sflag:s17] =	ssyncadd.s32 $0xFFFFC000  }
0x33: {  	[hbm4b:s31+s3] =	stream.linear.scatter [tilespmem:s12], [sflag:$0x6], $0x4000, $0x38;
	[tilespmem:$0x16400] =	vst v63  }
0x34: {  	_ =	swait.ge @p0 [sflag:s28], $0x4000  }
0x35: {  	[sflag:s28] =	ssyncset.done @p0 $0x0  }
0x36: {  	s29 =	simm.s32 @p0 $0xE400;
	[sflag:s28] =	ssyncadd.s32 @p0 $0xFFFFC000;
	s28 =	simm.s32 @p0 $0x0  }
0x37: {  	[hbm4b:s6+s28] =	stream.linear.scatter @p0 [tilespmem:s29], [sflag:$0x7], $0x4000, $0x38;
	[tilespmem:$0x16400] =	vst v63  }
0x38: {  	s28 =	simm.s32 @!p0 $0x5  }
0x39: {  	_ =	swait.ge @!p0 [sflag:s28], $0x4000  }
0x3a: {  	s30 =	simm.s32 @!p0 $0x6400;
	[sflag:s28] =	ssyncset.done @!p0 $0x0  }
0x3b: {  	s29 =	simm.s32 @!p0 $0x80;
	[sflag:s28] =	ssyncadd.s32 @!p0 $0xFFFFC000;
	s28 =	sadd.s32 @!p0 $0x200, s24  }
0x3c: {  	[tilespmem:s30], [sflag:$0x1] =	stream.indirect.gather @!p0 [hbm4b:s1+s29], $0x80, s28, s29, $0xb8;
	[tilespmem:$0x16400] =	vst v63  }
0x3d: {  	s28 =	simm.s32 @!p0 $0x3  }
0x3e: {  	_ =	swait.ge @!p0 [sflag:s28], $0x4000  }
0x3f: {  	[sflag:s28] =	ssyncset.done @!p0 $0x0  }
0x40: {  	[sflag:s28] =	ssyncadd.s32 @!p0 $0xFFFFC000;
	s28 =	sadd.s32 @!p0 s25, s8  }
0x41: {  	s31 =	simm.s32 @!p0 $0xE400;
	s30 =	simm.s32 @!p0 $0x0;
	s28 =	sadd.s32 @!p0 $0x1000, s28  }
0x42: {  	[hbm4b:s28+s30] =	stream.linear.scatter @!p0 [tilespmem:s31], [sflag:$0x7], $0x4000, $0x38;
	[tilespmem:$0x16400] =	vst v63  }
0x43: {  	s28 =	simm.s32 @!p0 $0x6  }
0x44: {  	_ =	swait.ge @!p0 [sflag:s28], $0x4000  }
0x45: {  	[sflag:s28] =	ssyncset.done @!p0 $0x0  }
0x46: {  	s30 =	simm.s32 @!p0 $0xA400;
	[sflag:s28] =	ssyncadd.s32 @!p0 $0xFFFFC000;
	s28 =	sadd.s32 @!p0 $0x280, s24  }
0x47: {  	[tilespmem:s30], [sflag:$0x2] =	stream.indirect.gather @!p0 [hbm4b:s1+s29], $0x80, s28, s29, $0xb8;
	[tilespmem:$0x16400] =	vst v63  }
.Ltmp2:
0x48: {  	_ = 	snop;
	(pc) =	sbr.rel @p0 .LBB2_4-.Ltmp2, $4  }
0x49: {  	_ =	swait.ge [sflag:s18], $0x4000  }
0x4a: {  	[sflag:s18] =	ssyncset.done $0x0  }
0x4b: {  	s26 =	sadd.s32 $0x1800, s26;
	[sflag:s18] =	ssyncadd.s32 $0xFFFFC000  }
0x4c: {  	[hbm4b:s26+s3] =	stream.linear.scatter [tilespmem:s16], [sflag:$0x8], $0x4000, $0x38;
	[tilespmem:$0x16400] =	vst v63  }
.Ltmp3:
0x4d: {  	(pc) =	sbr.rel .LBB2_2-.Ltmp3, $4  }
0x4e: {  	_ =	swait.ge [sflag:s21], $0x4000  }
0x4f: {  	s26 =	sadd.s32 $0x300, s24;
	[sflag:s21] =	ssyncset.done $0x0  }
0x50: {  	s25 =	sadd.s32 $0x2000, s25;
	s24 =	sadd.s32 $0x200, s24;
	[sflag:s21] =	ssyncadd.s32 $0xFFFFC000  }
0x51: {  	[tilespmem:s14], [sflag:$0x3] =	stream.indirect.gather [hbm4b:s1+s10], $0x80, s26, s10, $0xb8;
	[tilespmem:$0x16400] =	vst v63  }
.LBB2_5:
0x52: {  	_ =	sfence.sel $0x180000  }
0x53: {  	[bflag:$0x0] =	sbarrier.arrive $0xFFFF  }
0x54: {  	p0 =	sne.s32 s0, $0x0;
	_ =	strace $0x90000047  }
0x55: {  	s0 =	sadd.s32 @!p0 $0x100000, s2;
	[bflag:$0x2] =	sbarrier.arrive $0xFFFF  }
0x56: {  	[sflag:s0] =	ssyncadd.tile.s32 @!p0 $0x1;
	_ =	shalt  }
.Lfunc_end2:
_tile_overlayer_lowered:
.L_overlay_start_2:
0x57: {  	(tag) =	ssettag $0x2  }
0x58: {  	s0 =	rddreg [dreg:$0x0];
	s2 =	stileid.u32  }
0x59: {  	s1 =	rddreg [dreg:$0x1];
	p0 =	sne.s32 s2, $0x0  }
0x5a: {  	s3 =	rddreg [dreg:$0x2];
	[bflag:$0x3] =	sbarrier.arrive $0xFFFF;
	s2 =	simm.s32 @!p0 $0x1C09  }
0x5b: {  	[timem:s3], [sflag:s2] =	dma.local @!p0 [hbm:s0], s1  }
0x5c: {  	s0 =	simm.s32 @!p0 $0x9  }
0x5d: {  	_ =	swait.ge @!p0 [sflag:s0], s1  }
0x5e: {  	s1 =	ssub.s32 @!p0 $0x0, s1;
	[sflag:s0] =	ssyncset.done @!p0 $0x0  }
0x5f: {  	[sflag:s0] =	ssyncadd.s32 @!p0 s1  }
0x60: {  	[bflag:$0x3] =	sbarrier.arrive $0xFFFF  }
0x61: {  	_ =	shalt  }

</sc_bundles>
